<compile_context>
chip_gen: v7x
topology: tpu7x:2x2x1
jax: 0.10.2.dev20260603
libtpu: 0.0.44.dev20260713+nightly
codegen_flags: <defaults>
</compile_context>

<pallas_src>
import functools

import jax
import jax.numpy as jnp
from jax import lax
from jax.experimental import pallas as pl
from jax.experimental.pallas import tpu as pltpu
from jax.experimental.pallas import tpu_sc as plsc

NUM_USERS = 100000
EMBED_DIM = 128
BATCH = 16384

_NC = 2
_NS = 16
_NW = _NC * _NS
_B_PER_W = BATCH // _NW
_CHUNK = 128
_N_CHUNKS = _B_PER_W // _CHUNK


def _gather_call(idx, table):
  mesh = plsc.VectorSubcoreMesh(core_axis_name="c", subcore_axis_name="s")

  @functools.partial(
      pl.kernel,
      mesh=mesh,
      out_type=jax.ShapeDtypeStruct((BATCH, EMBED_DIM), jnp.float32),
      scratch_types=[
          pltpu.VMEM((_N_CHUNKS, _CHUNK), jnp.int32),
          pltpu.VMEM((_B_PER_W, EMBED_DIM), jnp.float32),
          *([pltpu.SemaphoreType.DMA] * _N_CHUNKS),
          pltpu.SemaphoreType.DMA,
      ],
  )
  def k(idx_hbm, table_hbm, out_hbm, idx_v, rows_v, *sems):
    gather_sems, out_sem = sems[:_N_CHUNKS], sems[_N_CHUNKS]
    wid = lax.axis_index("s") * _NC + lax.axis_index("c")
    base = wid * _B_PER_W
    idx_copies = [
        pltpu.async_copy(idx_hbm.at[wid].at[j], idx_v.at[j], gather_sems[j])
        for j in range(_N_CHUNKS)
    ]
    gathers = []
    for j in range(_N_CHUNKS):
      idx_copies[j].wait()
      gathers.append(
          pltpu.async_copy(
              table_hbm.at[idx_v.at[j]],
              rows_v.at[pl.ds(j * _CHUNK, _CHUNK)],
              gather_sems[j],
          )
      )
    outs = []
    for j in range(_N_CHUNKS):
      gathers[j].wait()
      outs.append(
          pltpu.async_copy(
              rows_v.at[pl.ds(j * _CHUNK, _CHUNK)],
              out_hbm.at[pl.ds(base + j * _CHUNK, _CHUNK)],
              out_sem,
          )
      )
    for c in outs:
      c.wait()

  return k(idx, table)


def kernel(user_ids, user_embedding):
  idx = user_ids.astype(jnp.int32).reshape(_NW, _N_CHUNKS, _CHUNK)
  return _gather_call(idx, user_embedding)

# --- scband reference (transcript-rebuilt; emitter-appended) ---
"""Pipeline reference for scband-user-tower-50981261803696 (READ-ONLY COPY).

The authoritative reference and input builder live on the scoring server;
editing this copy changes nothing except your own understanding.
"""

import jax, jax.numpy as jnp
import numpy as np

NUM_USERS = 100000
EMBED_DIM = 128
BATCH = 16384

def setup_inputs(seed: int = 0) -> dict:
    key = jax.random.key(seed)
    k_idx, k_tab = jax.random.split(key)
    user_ids = jax.random.randint(k_idx, (BATCH,), 0, NUM_USERS, dtype=jnp.int64 if jax.config.jax_enable_x64 else jnp.int32)
    user_embedding = jax.random.normal(k_tab, (NUM_USERS, EMBED_DIM), dtype=jnp.float32)
    return {"user_ids": user_ids, "user_embedding": user_embedding}

def reference(user_ids, user_embedding):
    # nn.Embedding forward: row gather from the embedding table
    return jnp.take(user_embedding, user_ids, axis=0)

if __name__ == "__main__":
    import jax
    _d = setup_inputs()
    print(jax.jit(kernel)(*tuple(_d.values())))

</pallas_src>

<mosaic_0001>
#map = affine_map<(d0, d1) -> (0, 0, 0)>
#map1 = affine_map<(d0, d1) -> (0, 0)>
module attributes {stable_mosaic.version = 14 : i64} {
  func.func @k(%arg0: i32, %arg1: i32, %arg2: memref<32x4x128xi32, #tpu.memory_space<hbm>>, %arg3: memref<100000x128xf32, #tpu.memory_space<hbm>>, %arg4: memref<16384x128xf32, #tpu.memory_space<hbm>>, %arg5: memref<4x128xi32, #tpu.memory_space<vmem>>, %arg6: memref<512x128xf32, #tpu.memory_space<vmem>>, %arg7: memref<!tpu.dma_semaphore, #tpu.memory_space<semaphore_mem>>, %arg8: memref<!tpu.dma_semaphore, #tpu.memory_space<semaphore_mem>>, %arg9: memref<!tpu.dma_semaphore, #tpu.memory_space<semaphore_mem>>, %arg10: memref<!tpu.dma_semaphore, #tpu.memory_space<semaphore_mem>>, %arg11: memref<!tpu.dma_semaphore, #tpu.memory_space<semaphore_mem>>) attributes {dimension_semantics = [#tpu.dimension_semantics<core_parallel>, #tpu.dimension_semantics<subcore_parallel>], iteration_bounds = array<i64: 2, 16>, scalar_prefetch = 0 : i64, scratch_operands = 7 : i64, tpu.core_type = #tpu.core_type<sc_vector_subcore>, window_params = [{transform_indices = #map}, {transform_indices = #map1}, {transform_indices = #map1}]} {
    %mul3A = arith.constant 2 : i32
    %mul3A_0 = arith.muli %arg1, %mul3A : i32
    %add3A = arith.addi %mul3A_0, %arg0 : i32
    %mul3A_1 = arith.constant 512 : i32
    %mul3A_2 = arith.muli %add3A, %mul3A_1 : i32
    %dma_start3A = arith.constant 0 : i32
    %dma_start3A_3 = arith.constant 0 : i32
    %dma_start3A_4 = arith.constant 0 : i32
    %dma_start3A_5 = tpu.memref_slice %arg5[%dma_start3A_3, %dma_start3A_4] : memref<4x128xi32, #tpu.memory_space<vmem>> -> memref<1x128xi32, #tpu.memory_space<vmem>>
    %dma_start3A_6 = tpu.memref_squeeze %dma_start3A_5 : memref<1x128xi32, #tpu.memory_space<vmem>> -> memref<128xi32, #tpu.memory_space<vmem>>
    %dma_start3A_7 = arith.constant 0 : i32
    %dma_start3A_8 = arith.constant 0 : i32
    %dma_start3A_9 = tpu.memref_slice %arg2[%add3A, %dma_start3A_7, %dma_start3A_8] : memref<32x4x128xi32, #tpu.memory_space<hbm>> -> memref<1x4x128xi32, #tpu.memory_space<hbm>>
    %dma_start3A_10 = tpu.memref_squeeze %dma_start3A_9 : memref<1x4x128xi32, #tpu.memory_space<hbm>> -> memref<4x128xi32, #tpu.memory_space<hbm>>
    %dma_start3A_11 = arith.constant 0 : i32
    %dma_start3A_12 = tpu.memref_slice %dma_start3A_10[%dma_start3A, %dma_start3A_11] : memref<4x128xi32, #tpu.memory_space<hbm>> -> memref<1x128xi32, #tpu.memory_space<hbm>>
    %dma_start3A_13 = tpu.memref_squeeze %dma_start3A_12 : memref<1x128xi32, #tpu.memory_space<hbm>> -> memref<128xi32, #tpu.memory_space<hbm>>
    %dma_start3A_14 = arith.constant 0 : i32
    %dma_start3A_15 = tpu.memref_slice %arg5[%dma_start3A_3, %dma_start3A_14] : memref<4x128xi32, #tpu.memory_space<vmem>> -> memref<1x128xi32, #tpu.memory_space<vmem>>
    %dma_start3A_16 = tpu.memref_squeeze %dma_start3A_15 : memref<1x128xi32, #tpu.memory_space<vmem>> -> memref<128xi32, #tpu.memory_space<vmem>>
    %dma_start3A_17 = arith.constant 0 : i32
    %dma_start3A_18 = arith.constant 0 : i32
    %dma_start3A_19 = tpu.memref_slice %arg2[%add3A, %dma_start3A_17, %dma_start3A_18] : memref<32x4x128xi32, #tpu.memory_space<hbm>> -> memref<1x4x128xi32, #tpu.memory_space<hbm>>
    %dma_start3A_20 = tpu.memref_squeeze %dma_start3A_19 : memref<1x4x128xi32, #tpu.memory_space<hbm>> -> memref<4x128xi32, #tpu.memory_space<hbm>>
    %dma_start3A_21 = arith.constant 0 : i32
    %dma_start3A_22 = tpu.memref_slice %dma_start3A_20[%dma_start3A, %dma_start3A_21] : memref<4x128xi32, #tpu.memory_space<hbm>> -> memref<1x128xi32, #tpu.memory_space<hbm>>
    %dma_start3A_23 = tpu.memref_squeeze %dma_start3A_22 : memref<1x128xi32, #tpu.memory_space<hbm>> -> memref<128xi32, #tpu.memory_space<hbm>>
    tpu.enqueue_dma source(%dma_start3A_23 : memref<128xi32, #tpu.memory_space<hbm>>) target(%dma_start3A_16 : memref<128xi32, #tpu.memory_space<vmem>>) target_semaphore(%arg7 : memref<!tpu.dma_semaphore, #tpu.memory_space<semaphore_mem>>)
    %dma_start3A_24 = arith.constant 1 : i32
    %dma_start3A_25 = arith.constant 1 : i32
    %dma_start3A_26 = arith.constant 0 : i32
    %dma_start3A_27 = tpu.memref_slice %arg5[%dma_start3A_25, %dma_start3A_26] : memref<4x128xi32, #tpu.memory_space<vmem>> -> memref<1x128xi32, #tpu.memory_space<vmem>>
    %dma_start3A_28 = tpu.memref_squeeze %dma_start3A_27 : memref<1x128xi32, #tpu.memory_space<vmem>> -> memref<128xi32, #tpu.memory_space<vmem>>
    %dma_start3A_29 = arith.constant 0 : i32
    %dma_start3A_30 = arith.constant 0 : i32
    %dma_start3A_31 = tpu.memref_slice %arg2[%add3A, %dma_start3A_29, %dma_start3A_30] : memref<32x4x128xi32, #tpu.memory_space<hbm>> -> memref<1x4x128xi32, #tpu.memory_space<hbm>>
    %dma_start3A_32 = tpu.memref_squeeze %dma_start3A_31 : memref<1x4x128xi32, #tpu.memory_space<hbm>> -> memref<4x128xi32, #tpu.memory_space<hbm>>
    %dma_start3A_33 = arith.constant 0 : i32
    %dma_start3A_34 = tpu.memref_slice %dma_start3A_32[%dma_start3A_24, %dma_start3A_33] : memref<4x128xi32, #tpu.memory_space<hbm>> -> memref<1x128xi32, #tpu.memory_space<hbm>>
    %dma_start3A_35 = tpu.memref_squeeze %dma_start3A_34 : memref<1x128xi32, #tpu.memory_space<hbm>> -> memref<128xi32, #tpu.memory_space<hbm>>
    %dma_start3A_36 = arith.constant 0 : i32
    %dma_start3A_37 = tpu.memref_slice %arg5[%dma_start3A_25, %dma_start3A_36] : memref<4x128xi32, #tpu.memory_space<vmem>> -> memref<1x128xi32, #tpu.memory_space<vmem>>
    %dma_start3A_38 = tpu.memref_squeeze %dma_start3A_37 : memref<1x128xi32, #tpu.memory_space<vmem>> -> memref<128xi32, #tpu.memory_space<vmem>>
    %dma_start3A_39 = arith.constant 0 : i32
    %dma_start3A_40 = arith.constant 0 : i32
    %dma_start3A_41 = tpu.memref_slice %arg2[%add3A, %dma_start3A_39, %dma_start3A_40] : memref<32x4x128xi32, #tpu.memory_space<hbm>> -> memref<1x4x128xi32, #tpu.memory_space<hbm>>
    %dma_start3A_42 = tpu.memref_squeeze %dma_start3A_41 : memref<1x4x128xi32, #tpu.memory_space<hbm>> -> memref<4x128xi32, #tpu.memory_space<hbm>>
    %dma_start3A_43 = arith.constant 0 : i32
    %dma_start3A_44 = tpu.memref_slice %dma_start3A_42[%dma_start3A_24, %dma_start3A_43] : memref<4x128xi32, #tpu.memory_space<hbm>> -> memref<1x128xi32, #tpu.memory_space<hbm>>
    %dma_start3A_45 = tpu.memref_squeeze %dma_start3A_44 : memref<1x128xi32, #tpu.memory_space<hbm>> -> memref<128xi32, #tpu.memory_space<hbm>>
    tpu.enqueue_dma source(%dma_start3A_45 : memref<128xi32, #tpu.memory_space<hbm>>) target(%dma_start3A_38 : memref<128xi32, #tpu.memory_space<vmem>>) target_semaphore(%arg8 : memref<!tpu.dma_semaphore, #tpu.memory_space<semaphore_mem>>)
    %dma_start3A_46 = arith.constant 2 : i32
    %dma_start3A_47 = arith.constant 2 : i32
    %dma_start3A_48 = arith.constant 0 : i32
    %dma_start3A_49 = tpu.memref_slice %arg5[%dma_start3A_47, %dma_start3A_48] : memref<4x128xi32, #tpu.memory_space<vmem>> -> memref<1x128xi32, #tpu.memory_space<vmem>>
    %dma_start3A_50 = tpu.memref_squeeze %dma_start3A_49 : memref<1x128xi32, #tpu.memory_space<vmem>> -> memref<128xi32, #tpu.memory_space<vmem>>
    %dma_start3A_51 = arith.constant 0 : i32
    %dma_start3A_52 = arith.constant 0 : i32
    %dma_start3A_53 = tpu.memref_slice %arg2[%add3A, %dma_start3A_51, %dma_start3A_52] : memref<32x4x128xi32, #tpu.memory_space<hbm>> -> memref<1x4x128xi32, #tpu.memory_space<hbm>>
    %dma_start3A_54 = tpu.memref_squeeze %dma_start3A_53 : memref<1x4x128xi32, #tpu.memory_space<hbm>> -> memref<4x128xi32, #tpu.memory_space<hbm>>
    %dma_start3A_55 = arith.constant 0 : i32
    %dma_start3A_56 = tpu.memref_slice %dma_start3A_54[%dma_start3A_46, %dma_start3A_55] : memref<4x128xi32, #tpu.memory_space<hbm>> -> memref<1x128xi32, #tpu.memory_space<hbm>>
    %dma_start3A_57 = tpu.memref_squeeze %dma_start3A_56 : memref<1x128xi32, #tpu.memory_space<hbm>> -> memref<128xi32, #tpu.memory_space<hbm>>
    %dma_start3A_58 = arith.constant 0 : i32
    %dma_start3A_59 = tpu.memref_slice %arg5[%dma_start3A_47, %dma_start3A_58] : memref<4x128xi32, #tpu.memory_space<vmem>> -> memref<1x128xi32, #tpu.memory_space<vmem>>
    %dma_start3A_60 = tpu.memref_squeeze %dma_start3A_59 : memref<1x128xi32, #tpu.memory_space<vmem>> -> memref<128xi32, #tpu.memory_space<vmem>>
    %dma_start3A_61 = arith.constant 0 : i32
    %dma_start3A_62 = arith.constant 0 : i32
    %dma_start3A_63 = tpu.memref_slice %arg2[%add3A, %dma_start3A_61, %dma_start3A_62] : memref<32x4x128xi32, #tpu.memory_space<hbm>> -> memref<1x4x128xi32, #tpu.memory_space<hbm>>
    %dma_start3A_64 = tpu.memref_squeeze %dma_start3A_63 : memref<1x4x128xi32, #tpu.memory_space<hbm>> -> memref<4x128xi32, #tpu.memory_space<hbm>>
    %dma_start3A_65 = arith.constant 0 : i32
    %dma_start3A_66 = tpu.memref_slice %dma_start3A_64[%dma_start3A_46, %dma_start3A_65] : memref<4x128xi32, #tpu.memory_space<hbm>> -> memref<1x128xi32, #tpu.memory_space<hbm>>
    %dma_start3A_67 = tpu.memref_squeeze %dma_start3A_66 : memref<1x128xi32, #tpu.memory_space<hbm>> -> memref<128xi32, #tpu.memory_space<hbm>>
    tpu.enqueue_dma source(%dma_start3A_67 : memref<128xi32, #tpu.memory_space<hbm>>) target(%dma_start3A_60 : memref<128xi32, #tpu.memory_space<vmem>>) target_semaphore(%arg9 : memref<!tpu.dma_semaphore, #tpu.memory_space<semaphore_mem>>)
    %dma_start3A_68 = arith.constant 3 : i32
    %dma_start3A_69 = arith.constant 3 : i32
    %dma_start3A_70 = arith.constant 0 : i32
    %dma_start3A_71 = tpu.memref_slice %arg5[%dma_start3A_69, %dma_start3A_70] : memref<4x128xi32, #tpu.memory_space<vmem>> -> memref<1x128xi32, #tpu.memory_space<vmem>>
    %dma_start3A_72 = tpu.memref_squeeze %dma_start3A_71 : memref<1x128xi32, #tpu.memory_space<vmem>> -> memref<128xi32, #tpu.memory_space<vmem>>
    %dma_start3A_73 = arith.constant 0 : i32
    %dma_start3A_74 = arith.constant 0 : i32
    %dma_start3A_75 = tpu.memref_slice %arg2[%add3A, %dma_start3A_73, %dma_start3A_74] : memref<32x4x128xi32, #tpu.memory_space<hbm>> -> memref<1x4x128xi32, #tpu.memory_space<hbm>>
    %dma_start3A_76 = tpu.memref_squeeze %dma_start3A_75 : memref<1x4x128xi32, #tpu.memory_space<hbm>> -> memref<4x128xi32, #tpu.memory_space<hbm>>
    %dma_start3A_77 = arith.constant 0 : i32
    %dma_start3A_78 = tpu.memref_slice %dma_start3A_76[%dma_start3A_68, %dma_start3A_77] : memref<4x128xi32, #tpu.memory_space<hbm>> -> memref<1x128xi32, #tpu.memory_space<hbm>>
    %dma_start3A_79 = tpu.memref_squeeze %dma_start3A_78 : memref<1x128xi32, #tpu.memory_space<hbm>> -> memref<128xi32, #tpu.memory_space<hbm>>
    %dma_start3A_80 = arith.constant 0 : i32
    %dma_start3A_81 = tpu.memref_slice %arg5[%dma_start3A_69, %dma_start3A_80] : memref<4x128xi32, #tpu.memory_space<vmem>> -> memref<1x128xi32, #tpu.memory_space<vmem>>
    %dma_start3A_82 = tpu.memref_squeeze %dma_start3A_81 : memref<1x128xi32, #tpu.memory_space<vmem>> -> memref<128xi32, #tpu.memory_space<vmem>>
    %dma_start3A_83 = arith.constant 0 : i32
    %dma_start3A_84 = arith.constant 0 : i32
    %dma_start3A_85 = tpu.memref_slice %arg2[%add3A, %dma_start3A_83, %dma_start3A_84] : memref<32x4x128xi32, #tpu.memory_space<hbm>> -> memref<1x4x128xi32, #tpu.memory_space<hbm>>
    %dma_start3A_86 = tpu.memref_squeeze %dma_start3A_85 : memref<1x4x128xi32, #tpu.memory_space<hbm>> -> memref<4x128xi32, #tpu.memory_space<hbm>>
    %dma_start3A_87 = arith.constant 0 : i32
    %dma_start3A_88 = tpu.memref_slice %dma_start3A_86[%dma_start3A_68, %dma_start3A_87] : memref<4x128xi32, #tpu.memory_space<hbm>> -> memref<1x128xi32, #tpu.memory_space<hbm>>
    %dma_start3A_89 = tpu.memref_squeeze %dma_start3A_88 : memref<1x128xi32, #tpu.memory_space<hbm>> -> memref<128xi32, #tpu.memory_space<hbm>>
    tpu.enqueue_dma source(%dma_start3A_89 : memref<128xi32, #tpu.memory_space<hbm>>) target(%dma_start3A_82 : memref<128xi32, #tpu.memory_space<vmem>>) target_semaphore(%arg10 : memref<!tpu.dma_semaphore, #tpu.memory_space<semaphore_mem>>)
    %dma_wait3A = arith.constant 0 : i32
    %dma_wait3A_90 = arith.constant 0 : i32
    %dma_wait3A_91 = arith.constant 0 : i32
    %dma_wait3A_92 = tpu.memref_slice %arg5[%dma_wait3A_90, %dma_wait3A_91] : memref<4x128xi32, #tpu.memory_space<vmem>> -> memref<1x128xi32, #tpu.memory_space<vmem>>
    %dma_wait3A_93 = tpu.memref_squeeze %dma_wait3A_92 : memref<1x128xi32, #tpu.memory_space<vmem>> -> memref<128xi32, #tpu.memory_space<vmem>>
    %dma_wait3A_94 = arith.constant 0 : i32
    %dma_wait3A_95 = arith.constant 0 : i32
    %dma_wait3A_96 = tpu.memref_slice %arg2[%add3A, %dma_wait3A_94, %dma_wait3A_95] : memref<32x4x128xi32, #tpu.memory_space<hbm>> -> memref<1x4x128xi32, #tpu.memory_space<hbm>>
    %dma_wait3A_97 = tpu.memref_squeeze %dma_wait3A_96 : memref<1x4x128xi32, #tpu.memory_space<hbm>> -> memref<4x128xi32, #tpu.memory_space<hbm>>
    %dma_wait3A_98 = arith.constant 0 : i32
    %dma_wait3A_99 = tpu.memref_slice %dma_wait3A_97[%dma_wait3A, %dma_wait3A_98] : memref<4x128xi32, #tpu.memory_space<hbm>> -> memref<1x128xi32, #tpu.memory_space<hbm>>
    %dma_wait3A_100 = tpu.memref_squeeze %dma_wait3A_99 : memref<1x128xi32, #tpu.memory_space<hbm>> -> memref<128xi32, #tpu.memory_space<hbm>>
    %dma_wait3A_101 = arith.constant 0 : i32
    %dma_wait3A_102 = tpu.memref_slice %arg5[%dma_wait3A_90, %dma_wait3A_101] : memref<4x128xi32, #tpu.memory_space<vmem>> -> memref<1x128xi32, #tpu.memory_space<vmem>>
    %dma_wait3A_103 = tpu.memref_squeeze %dma_wait3A_102 : memref<1x128xi32, #tpu.memory_space<vmem>> -> memref<128xi32, #tpu.memory_space<vmem>>
    %dma_wait3A_104 = arith.constant 0 : i32
    %dma_wait3A_105 = arith.constant 0 : i32
    %dma_wait3A_106 = tpu.memref_slice %arg2[%add3A, %dma_wait3A_104, %dma_wait3A_105] : memref<32x4x128xi32, #tpu.memory_space<hbm>> -> memref<1x4x128xi32, #tpu.memory_space<hbm>>
    %dma_wait3A_107 = tpu.memref_squeeze %dma_wait3A_106 : memref<1x4x128xi32, #tpu.memory_space<hbm>> -> memref<4x128xi32, #tpu.memory_space<hbm>>
    %dma_wait3A_108 = arith.constant 0 : i32
    %dma_wait3A_109 = tpu.memref_slice %dma_wait3A_107[%dma_wait3A, %dma_wait3A_108] : memref<4x128xi32, #tpu.memory_space<hbm>> -> memref<1x128xi32, #tpu.memory_space<hbm>>
    %dma_wait3A_110 = tpu.memref_squeeze %dma_wait3A_109 : memref<1x128xi32, #tpu.memory_space<hbm>> -> memref<128xi32, #tpu.memory_space<hbm>>
    tpu.wait_dma2 semaphore(%arg7 : memref<!tpu.dma_semaphore, #tpu.memory_space<semaphore_mem>>) src(%dma_wait3A_110 : memref<128xi32, #tpu.memory_space<hbm>>) dst(%dma_wait3A_103 : memref<128xi32, #tpu.memory_space<vmem>>)
    %dma_start3A_111 = arith.constant 0 : i32
    %dma_start3A_112 = arith.constant 0 : i32
    %dma_start3A_113 = arith.constant 0 : i32
    %dma_start3A_114 = tpu.memref_slice %arg6[%dma_start3A_112, %dma_start3A_113] : memref<512x128xf32, #tpu.memory_space<vmem>> -> memref<128x128xf32, #tpu.memory_space<vmem>>
    %dma_start3A_115 = arith.constant 0 : i32
    %dma_start3A_116 = tpu.memref_slice %arg5[%dma_start3A_111, %dma_start3A_115] : memref<4x128xi32, #tpu.memory_space<vmem>> -> memref<1x128xi32, #tpu.memory_space<vmem>>
    %dma_start3A_117 = tpu.memref_squeeze %dma_start3A_116 : memref<1x128xi32, #tpu.memory_space<vmem>> -> memref<128xi32, #tpu.memory_space<vmem>>
    %dma_start3A_118 = arith.constant 0 : i32
    %dma_start3A_119 = arith.constant 0 : i32
    %dma_start3A_120 = tpu.memref_slice %arg3[%dma_start3A_118, %dma_start3A_119] : memref<100000x128xf32, #tpu.memory_space<hbm>> -> memref<100000x128xf32, #tpu.memory_space<hbm>>
    tpu.enqueue_indirect_dma source(%dma_start3A_120 : memref<100000x128xf32, #tpu.memory_space<hbm>>) target(%dma_start3A_114 : memref<128x128xf32, #tpu.memory_space<vmem>>) offsets(%dma_start3A_117 : memref<128xi32, #tpu.memory_space<vmem>>) semaphore(%arg7 : memref<!tpu.dma_semaphore, #tpu.memory_space<semaphore_mem>>)
    %dma_wait3A_121 = arith.constant 1 : i32
    %dma_wait3A_122 = arith.constant 1 : i32
    %dma_wait3A_123 = arith.constant 0 : i32
    %dma_wait3A_124 = tpu.memref_slice %arg5[%dma_wait3A_122, %dma_wait3A_123] : memref<4x128xi32, #tpu.memory_space<vmem>> -> memref<1x128xi32, #tpu.memory_space<vmem>>
    %dma_wait3A_125 = tpu.memref_squeeze %dma_wait3A_124 : memref<1x128xi32, #tpu.memory_space<vmem>> -> memref<128xi32, #tpu.memory_space<vmem>>
    %dma_wait3A_126 = arith.constant 0 : i32
    %dma_wait3A_127 = arith.constant 0 : i32
    %dma_wait3A_128 = tpu.memref_slice %arg2[%add3A, %dma_wait3A_126, %dma_wait3A_127] : memref<32x4x128xi32, #tpu.memory_space<hbm>> -> memref<1x4x128xi32, #tpu.memory_space<hbm>>
    %dma_wait3A_129 = tpu.memref_squeeze %dma_wait3A_128 : memref<1x4x128xi32, #tpu.memory_space<hbm>> -> memref<4x128xi32, #tpu.memory_space<hbm>>
    %dma_wait3A_130 = arith.constant 0 : i32
    %dma_wait3A_131 = tpu.memref_slice %dma_wait3A_129[%dma_wait3A_121, %dma_wait3A_130] : memref<4x128xi32, #tpu.memory_space<hbm>> -> memref<1x128xi32, #tpu.memory_space<hbm>>
    %dma_wait3A_132 = tpu.memref_squeeze %dma_wait3A_131 : memref<1x128xi32, #tpu.memory_space<hbm>> -> memref<128xi32, #tpu.memory_space<hbm>>
    %dma_wait3A_133 = arith.constant 0 : i32
    %dma_wait3A_134 = tpu.memref_slice %arg5[%dma_wait3A_122, %dma_wait3A_133] : memref<4x128xi32, #tpu.memory_space<vmem>> -> memref<1x128xi32, #tpu.memory_space<vmem>>
    %dma_wait3A_135 = tpu.memref_squeeze %dma_wait3A_134 : memref<1x128xi32, #tpu.memory_space<vmem>> -> memref<128xi32, #tpu.memory_space<vmem>>
    %dma_wait3A_136 = arith.constant 0 : i32
    %dma_wait3A_137 = arith.constant 0 : i32
    %dma_wait3A_138 = tpu.memref_slice %arg2[%add3A, %dma_wait3A_136, %dma_wait3A_137] : memref<32x4x128xi32, #tpu.memory_space<hbm>> -> memref<1x4x128xi32, #tpu.memory_space<hbm>>
    %dma_wait3A_139 = tpu.memref_squeeze %dma_wait3A_138 : memref<1x4x128xi32, #tpu.memory_space<hbm>> -> memref<4x128xi32, #tpu.memory_space<hbm>>
    %dma_wait3A_140 = arith.constant 0 : i32
    %dma_wait3A_141 = tpu.memref_slice %dma_wait3A_139[%dma_wait3A_121, %dma_wait3A_140] : memref<4x128xi32, #tpu.memory_space<hbm>> -> memref<1x128xi32, #tpu.memory_space<hbm>>
    %dma_wait3A_142 = tpu.memref_squeeze %dma_wait3A_141 : memref<1x128xi32, #tpu.memory_space<hbm>> -> memref<128xi32, #tpu.memory_space<hbm>>
    tpu.wait_dma2 semaphore(%arg8 : memref<!tpu.dma_semaphore, #tpu.memory_space<semaphore_mem>>) src(%dma_wait3A_142 : memref<128xi32, #tpu.memory_space<hbm>>) dst(%dma_wait3A_135 : memref<128xi32, #tpu.memory_space<vmem>>)
    %dma_start3A_143 = arith.constant 1 : i32
    %dma_start3A_144 = arith.constant 128 : i32
    %dma_start3A_145 = arith.constant 0 : i32
    %dma_start3A_146 = tpu.memref_slice %arg6[%dma_start3A_144, %dma_start3A_145] : memref<512x128xf32, #tpu.memory_space<vmem>> -> memref<128x128xf32, #tpu.memory_space<vmem>>
    %dma_start3A_147 = arith.constant 0 : i32
    %dma_start3A_148 = tpu.memref_slice %arg5[%dma_start3A_143, %dma_start3A_147] : memref<4x128xi32, #tpu.memory_space<vmem>> -> memref<1x128xi32, #tpu.memory_space<vmem>>
    %dma_start3A_149 = tpu.memref_squeeze %dma_start3A_148 : memref<1x128xi32, #tpu.memory_space<vmem>> -> memref<128xi32, #tpu.memory_space<vmem>>
    %dma_start3A_150 = arith.constant 0 : i32
    %dma_start3A_151 = arith.constant 0 : i32
    %dma_start3A_152 = tpu.memref_slice %arg3[%dma_start3A_150, %dma_start3A_151] : memref<100000x128xf32, #tpu.memory_space<hbm>> -> memref<100000x128xf32, #tpu.memory_space<hbm>>
    tpu.enqueue_indirect_dma source(%dma_start3A_152 : memref<100000x128xf32, #tpu.memory_space<hbm>>) target(%dma_start3A_146 : memref<128x128xf32, #tpu.memory_space<vmem>>) offsets(%dma_start3A_149 : memref<128xi32, #tpu.memory_space<vmem>>) semaphore(%arg8 : memref<!tpu.dma_semaphore, #tpu.memory_space<semaphore_mem>>)
    %dma_wait3A_153 = arith.constant 2 : i32
    %dma_wait3A_154 = arith.constant 2 : i32
    %dma_wait3A_155 = arith.constant 0 : i32
    %dma_wait3A_156 = tpu.memref_slice %arg5[%dma_wait3A_154, %dma_wait3A_155] : memref<4x128xi32, #tpu.memory_space<vmem>> -> memref<1x128xi32, #tpu.memory_space<vmem>>
    %dma_wait3A_157 = tpu.memref_squeeze %dma_wait3A_156 : memref<1x128xi32, #tpu.memory_space<vmem>> -> memref<128xi32, #tpu.memory_space<vmem>>
    %dma_wait3A_158 = arith.constant 0 : i32
    %dma_wait3A_159 = arith.constant 0 : i32
    %dma_wait3A_160 = tpu.memref_slice %arg2[%add3A, %dma_wait3A_158, %dma_wait3A_159] : memref<32x4x128xi32, #tpu.memory_space<hbm>> -> memref<1x4x128xi32, #tpu.memory_space<hbm>>
    %dma_wait3A_161 = tpu.memref_squeeze %dma_wait3A_160 : memref<1x4x128xi32, #tpu.memory_space<hbm>> -> memref<4x128xi32, #tpu.memory_space<hbm>>
    %dma_wait3A_162 = arith.constant 0 : i32
    %dma_wait3A_163 = tpu.memref_slice %dma_wait3A_161[%dma_wait3A_153, %dma_wait3A_162] : memref<4x128xi32, #tpu.memory_space<hbm>> -> memref<1x128xi32, #tpu.memory_space<hbm>>
    %dma_wait3A_164 = tpu.memref_squeeze %dma_wait3A_163 : memref<1x128xi32, #tpu.memory_space<hbm>> -> memref<128xi32, #tpu.memory_space<hbm>>
    %dma_wait3A_165 = arith.constant 0 : i32
    %dma_wait3A_166 = tpu.memref_slice %arg5[%dma_wait3A_154, %dma_wait3A_165] : memref<4x128xi32, #tpu.memory_space<vmem>> -> memref<1x128xi32, #tpu.memory_space<vmem>>
    %dma_wait3A_167 = tpu.memref_squeeze %dma_wait3A_166 : memref<1x128xi32, #tpu.memory_space<vmem>> -> memref<128xi32, #tpu.memory_space<vmem>>
    %dma_wait3A_168 = arith.constant 0 : i32
    %dma_wait3A_169 = arith.constant 0 : i32
    %dma_wait3A_170 = tpu.memref_slice %arg2[%add3A, %dma_wait3A_168, %dma_wait3A_169] : memref<32x4x128xi32, #tpu.memory_space<hbm>> -> memref<1x4x128xi32, #tpu.memory_space<hbm>>
    %dma_wait3A_171 = tpu.memref_squeeze %dma_wait3A_170 : memref<1x4x128xi32, #tpu.memory_space<hbm>> -> memref<4x128xi32, #tpu.memory_space<hbm>>
    %dma_wait3A_172 = arith.constant 0 : i32
    %dma_wait3A_173 = tpu.memref_slice %dma_wait3A_171[%dma_wait3A_153, %dma_wait3A_172] : memref<4x128xi32, #tpu.memory_space<hbm>> -> memref<1x128xi32, #tpu.memory_space<hbm>>
    %dma_wait3A_174 = tpu.memref_squeeze %dma_wait3A_173 : memref<1x128xi32, #tpu.memory_space<hbm>> -> memref<128xi32, #tpu.memory_space<hbm>>
    tpu.wait_dma2 semaphore(%arg9 : memref<!tpu.dma_semaphore, #tpu.memory_space<semaphore_mem>>) src(%dma_wait3A_174 : memref<128xi32, #tpu.memory_space<hbm>>) dst(%dma_wait3A_167 : memref<128xi32, #tpu.memory_space<vmem>>)
    %dma_start3A_175 = arith.constant 2 : i32
    %dma_start3A_176 = arith.constant 256 : i32
    %dma_start3A_177 = arith.constant 0 : i32
    %dma_start3A_178 = tpu.memref_slice %arg6[%dma_start3A_176, %dma_start3A_177] : memref<512x128xf32, #tpu.memory_space<vmem>> -> memref<128x128xf32, #tpu.memory_space<vmem>>
    %dma_start3A_179 = arith.constant 0 : i32
    %dma_start3A_180 = tpu.memref_slice %arg5[%dma_start3A_175, %dma_start3A_179] : memref<4x128xi32, #tpu.memory_space<vmem>> -> memref<1x128xi32, #tpu.memory_space<vmem>>
    %dma_start3A_181 = tpu.memref_squeeze %dma_start3A_180 : memref<1x128xi32, #tpu.memory_space<vmem>> -> memref<128xi32, #tpu.memory_space<vmem>>
    %dma_start3A_182 = arith.constant 0 : i32
    %dma_start3A_183 = arith.constant 0 : i32
    %dma_start3A_184 = tpu.memref_slice %arg3[%dma_start3A_182, %dma_start3A_183] : memref<100000x128xf32, #tpu.memory_space<hbm>> -> memref<100000x128xf32, #tpu.memory_space<hbm>>
    tpu.enqueue_indirect_dma source(%dma_start3A_184 : memref<100000x128xf32, #tpu.memory_space<hbm>>) target(%dma_start3A_178 : memref<128x128xf32, #tpu.memory_space<vmem>>) offsets(%dma_start3A_181 : memref<128xi32, #tpu.memory_space<vmem>>) semaphore(%arg9 : memref<!tpu.dma_semaphore, #tpu.memory_space<semaphore_mem>>)
    %dma_wait3A_185 = arith.constant 3 : i32
    %dma_wait3A_186 = arith.constant 3 : i32
    %dma_wait3A_187 = arith.constant 0 : i32
    %dma_wait3A_188 = tpu.memref_slice %arg5[%dma_wait3A_186, %dma_wait3A_187] : memref<4x128xi32, #tpu.memory_space<vmem>> -> memref<1x128xi32, #tpu.memory_space<vmem>>
    %dma_wait3A_189 = tpu.memref_squeeze %dma_wait3A_188 : memref<1x128xi32, #tpu.memory_space<vmem>> -> memref<128xi32, #tpu.memory_space<vmem>>
    %dma_wait3A_190 = arith.constant 0 : i32
    %dma_wait3A_191 = arith.constant 0 : i32
    %dma_wait3A_192 = tpu.memref_slice %arg2[%add3A, %dma_wait3A_190, %dma_wait3A_191] : memref<32x4x128xi32, #tpu.memory_space<hbm>> -> memref<1x4x128xi32, #tpu.memory_space<hbm>>
    %dma_wait3A_193 = tpu.memref_squeeze %dma_wait3A_192 : memref<1x4x128xi32, #tpu.memory_space<hbm>> -> memref<4x128xi32, #tpu.memory_space<hbm>>
    %dma_wait3A_194 = arith.constant 0 : i32
    %dma_wait3A_195 = tpu.memref_slice %dma_wait3A_193[%dma_wait3A_185, %dma_wait3A_194] : memref<4x128xi32, #tpu.memory_space<hbm>> -> memref<1x128xi32, #tpu.memory_space<hbm>>
    %dma_wait3A_196 = tpu.memref_squeeze %dma_wait3A_195 : memref<1x128xi32, #tpu.memory_space<hbm>> -> memref<128xi32, #tpu.memory_space<hbm>>
    %dma_wait3A_197 = arith.constant 0 : i32
    %dma_wait3A_198 = tpu.memref_slice %arg5[%dma_wait3A_186, %dma_wait3A_197] : memref<4x128xi32, #tpu.memory_space<vmem>> -> memref<1x128xi32, #tpu.memory_space<vmem>>
    %dma_wait3A_199 = tpu.memref_squeeze %dma_wait3A_198 : memref<1x128xi32, #tpu.memory_space<vmem>> -> memref<128xi32, #tpu.memory_space<vmem>>
    %dma_wait3A_200 = arith.constant 0 : i32
    %dma_wait3A_201 = arith.constant 0 : i32
    %dma_wait3A_202 = tpu.memref_slice %arg2[%add3A, %dma_wait3A_200, %dma_wait3A_201] : memref<32x4x128xi32, #tpu.memory_space<hbm>> -> memref<1x4x128xi32, #tpu.memory_space<hbm>>
    %dma_wait3A_203 = tpu.memref_squeeze %dma_wait3A_202 : memref<1x4x128xi32, #tpu.memory_space<hbm>> -> memref<4x128xi32, #tpu.memory_space<hbm>>
    %dma_wait3A_204 = arith.constant 0 : i32
    %dma_wait3A_205 = tpu.memref_slice %dma_wait3A_203[%dma_wait3A_185, %dma_wait3A_204] : memref<4x128xi32, #tpu.memory_space<hbm>> -> memref<1x128xi32, #tpu.memory_space<hbm>>
    %dma_wait3A_206 = tpu.memref_squeeze %dma_wait3A_205 : memref<1x128xi32, #tpu.memory_space<hbm>> -> memref<128xi32, #tpu.memory_space<hbm>>
    tpu.wait_dma2 semaphore(%arg10 : memref<!tpu.dma_semaphore, #tpu.memory_space<semaphore_mem>>) src(%dma_wait3A_206 : memref<128xi32, #tpu.memory_space<hbm>>) dst(%dma_wait3A_199 : memref<128xi32, #tpu.memory_space<vmem>>)
    %dma_start3A_207 = arith.constant 3 : i32
    %dma_start3A_208 = arith.constant 384 : i32
    %dma_start3A_209 = arith.constant 0 : i32
    %dma_start3A_210 = tpu.memref_slice %arg6[%dma_start3A_208, %dma_start3A_209] : memref<512x128xf32, #tpu.memory_space<vmem>> -> memref<128x128xf32, #tpu.memory_space<vmem>>
    %dma_start3A_211 = arith.constant 0 : i32
    %dma_start3A_212 = tpu.memref_slice %arg5[%dma_start3A_207, %dma_start3A_211] : memref<4x128xi32, #tpu.memory_space<vmem>> -> memref<1x128xi32, #tpu.memory_space<vmem>>
    %dma_start3A_213 = tpu.memref_squeeze %dma_start3A_212 : memref<1x128xi32, #tpu.memory_space<vmem>> -> memref<128xi32, #tpu.memory_space<vmem>>
    %dma_start3A_214 = arith.constant 0 : i32
    %dma_start3A_215 = arith.constant 0 : i32
    %dma_start3A_216 = tpu.memref_slice %arg3[%dma_start3A_214, %dma_start3A_215] : memref<100000x128xf32, #tpu.memory_space<hbm>> -> memref<100000x128xf32, #tpu.memory_space<hbm>>
    tpu.enqueue_indirect_dma source(%dma_start3A_216 : memref<100000x128xf32, #tpu.memory_space<hbm>>) target(%dma_start3A_210 : memref<128x128xf32, #tpu.memory_space<vmem>>) offsets(%dma_start3A_213 : memref<128xi32, #tpu.memory_space<vmem>>) semaphore(%arg10 : memref<!tpu.dma_semaphore, #tpu.memory_space<semaphore_mem>>)
    %dma_wait3A_217 = arith.constant 0 : i32
    %dma_wait3A_218 = arith.constant 0 : i32
    %dma_wait3A_219 = arith.constant 0 : i32
    %dma_wait3A_220 = tpu.memref_slice %arg6[%dma_wait3A_218, %dma_wait3A_219] : memref<512x128xf32, #tpu.memory_space<vmem>> -> memref<128x128xf32, #tpu.memory_space<vmem>>
    %dma_wait3A_221 = arith.constant 0 : i32
    %dma_wait3A_222 = tpu.memref_slice %arg5[%dma_wait3A_217, %dma_wait3A_221] : memref<4x128xi32, #tpu.memory_space<vmem>> -> memref<1x128xi32, #tpu.memory_space<vmem>>
    %dma_wait3A_223 = tpu.memref_squeeze %dma_wait3A_222 : memref<1x128xi32, #tpu.memory_space<vmem>> -> memref<128xi32, #tpu.memory_space<vmem>>
    %dma_wait3A_224 = arith.constant 0 : i32
    %dma_wait3A_225 = arith.constant 0 : i32
    %dma_wait3A_226 = tpu.memref_slice %arg3[%dma_wait3A_224, %dma_wait3A_225] : memref<100000x128xf32, #tpu.memory_space<hbm>> -> memref<100000x128xf32, #tpu.memory_space<hbm>>
    tpu.wait_indirect_dma semaphore(%arg7 : memref<!tpu.dma_semaphore, #tpu.memory_space<semaphore_mem>>) src(%dma_wait3A_226 : memref<100000x128xf32, #tpu.memory_space<hbm>>) dst(%dma_wait3A_220 : memref<128x128xf32, #tpu.memory_space<vmem>>)
    %add3A_227 = arith.constant 0 : i32
    %add3A_228 = arith.addi %mul3A_2, %add3A_227 : i32
    %dma_start3A_229 = arith.constant 0 : i32
    %dma_start3A_230 = arith.constant 0 : i32
    %dma_start3A_231 = tpu.memref_slice %arg6[%dma_start3A_229, %dma_start3A_230] : memref<512x128xf32, #tpu.memory_space<vmem>> -> memref<128x128xf32, #tpu.memory_space<vmem>>
    %dma_start3A_232 = arith.constant 0 : i32
    %dma_start3A_233 = tpu.memref_slice %arg4[%add3A_228, %dma_start3A_232] : memref<16384x128xf32, #tpu.memory_space<hbm>> -> memref<128x128xf32, #tpu.memory_space<hbm>>
    %dma_start3A_234 = arith.constant 0 : i32
    %dma_start3A_235 = tpu.memref_slice %arg4[%add3A_228, %dma_start3A_234] : memref<16384x128xf32, #tpu.memory_space<hbm>> -> memref<128x128xf32, #tpu.memory_space<hbm>>
    %dma_start3A_236 = arith.constant 0 : i32
    %dma_start3A_237 = arith.constant 0 : i32
    %dma_start3A_238 = tpu.memref_slice %arg6[%dma_start3A_236, %dma_start3A_237] : memref<512x128xf32, #tpu.memory_space<vmem>> -> memref<128x128xf32, #tpu.memory_space<vmem>>
    tpu.enqueue_dma source(%dma_start3A_238 : memref<128x128xf32, #tpu.memory_space<vmem>>) target(%dma_start3A_235 : memref<128x128xf32, #tpu.memory_space<hbm>>) target_semaphore(%arg11 : memref<!tpu.dma_semaphore, #tpu.memory_space<semaphore_mem>>)
    %dma_wait3A_239 = arith.constant 1 : i32
    %dma_wait3A_240 = arith.constant 128 : i32
    %dma_wait3A_241 = arith.constant 0 : i32
    %dma_wait3A_242 = tpu.memref_slice %arg6[%dma_wait3A_240, %dma_wait3A_241] : memref<512x128xf32, #tpu.memory_space<vmem>> -> memref<128x128xf32, #tpu.memory_space<vmem>>
    %dma_wait3A_243 = arith.constant 0 : i32
    %dma_wait3A_244 = tpu.memref_slice %arg5[%dma_wait3A_239, %dma_wait3A_243] : memref<4x128xi32, #tpu.memory_space<vmem>> -> memref<1x128xi32, #tpu.memory_space<vmem>>
    %dma_wait3A_245 = tpu.memref_squeeze %dma_wait3A_244 : memref<1x128xi32, #tpu.memory_space<vmem>> -> memref<128xi32, #tpu.memory_space<vmem>>
    %dma_wait3A_246 = arith.constant 0 : i32
    %dma_wait3A_247 = arith.constant 0 : i32
    %dma_wait3A_248 = tpu.memref_slice %arg3[%dma_wait3A_246, %dma_wait3A_247] : memref<100000x128xf32, #tpu.memory_space<hbm>> -> memref<100000x128xf32, #tpu.memory_space<hbm>>
    tpu.wait_indirect_dma semaphore(%arg8 : memref<!tpu.dma_semaphore, #tpu.memory_space<semaphore_mem>>) src(%dma_wait3A_248 : memref<100000x128xf32, #tpu.memory_space<hbm>>) dst(%dma_wait3A_242 : memref<128x128xf32, #tpu.memory_space<vmem>>)
    %add3A_249 = arith.constant 128 : i32
    %add3A_250 = arith.addi %mul3A_2, %add3A_249 : i32
    %dma_start3A_251 = arith.constant 128 : i32
    %dma_start3A_252 = arith.constant 0 : i32
    %dma_start3A_253 = tpu.memref_slice %arg6[%dma_start3A_251, %dma_start3A_252] : memref<512x128xf32, #tpu.memory_space<vmem>> -> memref<128x128xf32, #tpu.memory_space<vmem>>
    %dma_start3A_254 = arith.constant 0 : i32
    %dma_start3A_255 = tpu.memref_slice %arg4[%add3A_250, %dma_start3A_254] : memref<16384x128xf32, #tpu.memory_space<hbm>> -> memref<128x128xf32, #tpu.memory_space<hbm>>
    %dma_start3A_256 = arith.constant 0 : i32
    %dma_start3A_257 = tpu.memref_slice %arg4[%add3A_250, %dma_start3A_256] : memref<16384x128xf32, #tpu.memory_space<hbm>> -> memref<128x128xf32, #tpu.memory_space<hbm>>
    %dma_start3A_258 = arith.constant 128 : i32
    %dma_start3A_259 = arith.constant 0 : i32
    %dma_start3A_260 = tpu.memref_slice %arg6[%dma_start3A_258, %dma_start3A_259] : memref<512x128xf32, #tpu.memory_space<vmem>> -> memref<128x128xf32, #tpu.memory_space<vmem>>
    tpu.enqueue_dma source(%dma_start3A_260 : memref<128x128xf32, #tpu.memory_space<vmem>>) target(%dma_start3A_257 : memref<128x128xf32, #tpu.memory_space<hbm>>) target_semaphore(%arg11 : memref<!tpu.dma_semaphore, #tpu.memory_space<semaphore_mem>>)
    %dma_wait3A_261 = arith.constant 2 : i32
    %dma_wait3A_262 = arith.constant 256 : i32
    %dma_wait3A_263 = arith.constant 0 : i32
    %dma_wait3A_264 = tpu.memref_slice %arg6[%dma_wait3A_262, %dma_wait3A_263] : memref<512x128xf32, #tpu.memory_space<vmem>> -> memref<128x128xf32, #tpu.memory_space<vmem>>
    %dma_wait3A_265 = arith.constant 0 : i32
    %dma_wait3A_266 = tpu.memref_slice %arg5[%dma_wait3A_261, %dma_wait3A_265] : memref<4x128xi32, #tpu.memory_space<vmem>> -> memref<1x128xi32, #tpu.memory_space<vmem>>
    %dma_wait3A_267 = tpu.memref_squeeze %dma_wait3A_266 : memref<1x128xi32, #tpu.memory_space<vmem>> -> memref<128xi32, #tpu.memory_space<vmem>>
    %dma_wait3A_268 = arith.constant 0 : i32
    %dma_wait3A_269 = arith.constant 0 : i32
    %dma_wait3A_270 = tpu.memref_slice %arg3[%dma_wait3A_268, %dma_wait3A_269] : memref<100000x128xf32, #tpu.memory_space<hbm>> -> memref<100000x128xf32, #tpu.memory_space<hbm>>
    tpu.wait_indirect_dma semaphore(%arg9 : memref<!tpu.dma_semaphore, #tpu.memory_space<semaphore_mem>>) src(%dma_wait3A_270 : memref<100000x128xf32, #tpu.memory_space<hbm>>) dst(%dma_wait3A_264 : memref<128x128xf32, #tpu.memory_space<vmem>>)
    %add3A_271 = arith.constant 256 : i32
    %add3A_272 = arith.addi %mul3A_2, %add3A_271 : i32
    %dma_start3A_273 = arith.constant 256 : i32
    %dma_start3A_274 = arith.constant 0 : i32
    %dma_start3A_275 = tpu.memref_slice %arg6[%dma_start3A_273, %dma_start3A_274] : memref<512x128xf32, #tpu.memory_space<vmem>> -> memref<128x128xf32, #tpu.memory_space<vmem>>
    %dma_start3A_276 = arith.constant 0 : i32
    %dma_start3A_277 = tpu.memref_slice %arg4[%add3A_272, %dma_start3A_276] : memref<16384x128xf32, #tpu.memory_space<hbm>> -> memref<128x128xf32, #tpu.memory_space<hbm>>
    %dma_start3A_278 = arith.constant 0 : i32
    %dma_start3A_279 = tpu.memref_slice %arg4[%add3A_272, %dma_start3A_278] : memref<16384x128xf32, #tpu.memory_space<hbm>> -> memref<128x128xf32, #tpu.memory_space<hbm>>
    %dma_start3A_280 = arith.constant 256 : i32
    %dma_start3A_281 = arith.constant 0 : i32
    %dma_start3A_282 = tpu.memref_slice %arg6[%dma_start3A_280, %dma_start3A_281] : memref<512x128xf32, #tpu.memory_space<vmem>> -> memref<128x128xf32, #tpu.memory_space<vmem>>
    tpu.enqueue_dma source(%dma_start3A_282 : memref<128x128xf32, #tpu.memory_space<vmem>>) target(%dma_start3A_279 : memref<128x128xf32, #tpu.memory_space<hbm>>) target_semaphore(%arg11 : memref<!tpu.dma_semaphore, #tpu.memory_space<semaphore_mem>>)
    %dma_wait3A_283 = arith.constant 3 : i32
    %dma_wait3A_284 = arith.constant 384 : i32
    %dma_wait3A_285 = arith.constant 0 : i32
    %dma_wait3A_286 = tpu.memref_slice %arg6[%dma_wait3A_284, %dma_wait3A_285] : memref<512x128xf32, #tpu.memory_space<vmem>> -> memref<128x128xf32, #tpu.memory_space<vmem>>
    %dma_wait3A_287 = arith.constant 0 : i32
    %dma_wait3A_288 = tpu.memref_slice %arg5[%dma_wait3A_283, %dma_wait3A_287] : memref<4x128xi32, #tpu.memory_space<vmem>> -> memref<1x128xi32, #tpu.memory_space<vmem>>
    %dma_wait3A_289 = tpu.memref_squeeze %dma_wait3A_288 : memref<1x128xi32, #tpu.memory_space<vmem>> -> memref<128xi32, #tpu.memory_space<vmem>>
    %dma_wait3A_290 = arith.constant 0 : i32
    %dma_wait3A_291 = arith.constant 0 : i32
    %dma_wait3A_292 = tpu.memref_slice %arg3[%dma_wait3A_290, %dma_wait3A_291] : memref<100000x128xf32, #tpu.memory_space<hbm>> -> memref<100000x128xf32, #tpu.memory_space<hbm>>
    tpu.wait_indirect_dma semaphore(%arg10 : memref<!tpu.dma_semaphore, #tpu.memory_space<semaphore_mem>>) src(%dma_wait3A_292 : memref<100000x128xf32, #tpu.memory_space<hbm>>) dst(%dma_wait3A_286 : memref<128x128xf32, #tpu.memory_space<vmem>>)
    %add3A_293 = arith.constant 384 : i32
    %add3A_294 = arith.addi %mul3A_2, %add3A_293 : i32
    %dma_start3A_295 = arith.constant 384 : i32
    %dma_start3A_296 = arith.constant 0 : i32
    %dma_start3A_297 = tpu.memref_slice %arg6[%dma_start3A_295, %dma_start3A_296] : memref<512x128xf32, #tpu.memory_space<vmem>> -> memref<128x128xf32, #tpu.memory_space<vmem>>
    %dma_start3A_298 = arith.constant 0 : i32
    %dma_start3A_299 = tpu.memref_slice %arg4[%add3A_294, %dma_start3A_298] : memref<16384x128xf32, #tpu.memory_space<hbm>> -> memref<128x128xf32, #tpu.memory_space<hbm>>
    %dma_start3A_300 = arith.constant 0 : i32
    %dma_start3A_301 = tpu.memref_slice %arg4[%add3A_294, %dma_start3A_300] : memref<16384x128xf32, #tpu.memory_space<hbm>> -> memref<128x128xf32, #tpu.memory_space<hbm>>
    %dma_start3A_302 = arith.constant 384 : i32
    %dma_start3A_303 = arith.constant 0 : i32
    %dma_start3A_304 = tpu.memref_slice %arg6[%dma_start3A_302, %dma_start3A_303] : memref<512x128xf32, #tpu.memory_space<vmem>> -> memref<128x128xf32, #tpu.memory_space<vmem>>
    tpu.enqueue_dma source(%dma_start3A_304 : memref<128x128xf32, #tpu.memory_space<vmem>>) target(%dma_start3A_301 : memref<128x128xf32, #tpu.memory_space<hbm>>) target_semaphore(%arg11 : memref<!tpu.dma_semaphore, #tpu.memory_space<semaphore_mem>>)
    %dma_wait3A_305 = arith.constant 0 : i32
    %dma_wait3A_306 = arith.constant 0 : i32
    %dma_wait3A_307 = tpu.memref_slice %arg6[%dma_wait3A_305, %dma_wait3A_306] : memref<512x128xf32, #tpu.memory_space<vmem>> -> memref<128x128xf32, #tpu.memory_space<vmem>>
    %dma_wait3A_308 = arith.constant 0 : i32
    %dma_wait3A_309 = tpu.memref_slice %arg4[%add3A_228, %dma_wait3A_308] : memref<16384x128xf32, #tpu.memory_space<hbm>> -> memref<128x128xf32, #tpu.memory_space<hbm>>
    %dma_wait3A_310 = arith.constant 0 : i32
    %dma_wait3A_311 = tpu.memref_slice %arg4[%add3A_228, %dma_wait3A_310] : memref<16384x128xf32, #tpu.memory_space<hbm>> -> memref<128x128xf32, #tpu.memory_space<hbm>>
    %dma_wait3A_312 = arith.constant 0 : i32
    %dma_wait3A_313 = arith.constant 0 : i32
    %dma_wait3A_314 = tpu.memref_slice %arg6[%dma_wait3A_312, %dma_wait3A_313] : memref<512x128xf32, #tpu.memory_space<vmem>> -> memref<128x128xf32, #tpu.memory_space<vmem>>
    tpu.wait_dma2 semaphore(%arg11 : memref<!tpu.dma_semaphore, #tpu.memory_space<semaphore_mem>>) src(%dma_wait3A_314 : memref<128x128xf32, #tpu.memory_space<vmem>>) dst(%dma_wait3A_311 : memref<128x128xf32, #tpu.memory_space<hbm>>)
    %dma_wait3A_315 = arith.constant 128 : i32
    %dma_wait3A_316 = arith.constant 0 : i32
    %dma_wait3A_317 = tpu.memref_slice %arg6[%dma_wait3A_315, %dma_wait3A_316] : memref<512x128xf32, #tpu.memory_space<vmem>> -> memref<128x128xf32, #tpu.memory_space<vmem>>
    %dma_wait3A_318 = arith.constant 0 : i32
    %dma_wait3A_319 = tpu.memref_slice %arg4[%add3A_250, %dma_wait3A_318] : memref<16384x128xf32, #tpu.memory_space<hbm>> -> memref<128x128xf32, #tpu.memory_space<hbm>>
    %dma_wait3A_320 = arith.constant 0 : i32
    %dma_wait3A_321 = tpu.memref_slice %arg4[%add3A_250, %dma_wait3A_320] : memref<16384x128xf32, #tpu.memory_space<hbm>> -> memref<128x128xf32, #tpu.memory_space<hbm>>
    %dma_wait3A_322 = arith.constant 128 : i32
    %dma_wait3A_323 = arith.constant 0 : i32
    %dma_wait3A_324 = tpu.memref_slice %arg6[%dma_wait3A_322, %dma_wait3A_323] : memref<512x128xf32, #tpu.memory_space<vmem>> -> memref<128x128xf32, #tpu.memory_space<vmem>>
    tpu.wait_dma2 semaphore(%arg11 : memref<!tpu.dma_semaphore, #tpu.memory_space<semaphore_mem>>) src(%dma_wait3A_324 : memref<128x128xf32, #tpu.memory_space<vmem>>) dst(%dma_wait3A_321 : memref<128x128xf32, #tpu.memory_space<hbm>>)
    %dma_wait3A_325 = arith.constant 256 : i32
    %dma_wait3A_326 = arith.constant 0 : i32
    %dma_wait3A_327 = tpu.memref_slice %arg6[%dma_wait3A_325, %dma_wait3A_326] : memref<512x128xf32, #tpu.memory_space<vmem>> -> memref<128x128xf32, #tpu.memory_space<vmem>>
    %dma_wait3A_328 = arith.constant 0 : i32
    %dma_wait3A_329 = tpu.memref_slice %arg4[%add3A_272, %dma_wait3A_328] : memref<16384x128xf32, #tpu.memory_space<hbm>> -> memref<128x128xf32, #tpu.memory_space<hbm>>
    %dma_wait3A_330 = arith.constant 0 : i32
    %dma_wait3A_331 = tpu.memref_slice %arg4[%add3A_272, %dma_wait3A_330] : memref<16384x128xf32, #tpu.memory_space<hbm>> -> memref<128x128xf32, #tpu.memory_space<hbm>>
    %dma_wait3A_332 = arith.constant 256 : i32
    %dma_wait3A_333 = arith.constant 0 : i32
    %dma_wait3A_334 = tpu.memref_slice %arg6[%dma_wait3A_332, %dma_wait3A_333] : memref<512x128xf32, #tpu.memory_space<vmem>> -> memref<128x128xf32, #tpu.memory_space<vmem>>
    tpu.wait_dma2 semaphore(%arg11 : memref<!tpu.dma_semaphore, #tpu.memory_space<semaphore_mem>>) src(%dma_wait3A_334 : memref<128x128xf32, #tpu.memory_space<vmem>>) dst(%dma_wait3A_331 : memref<128x128xf32, #tpu.memory_space<hbm>>)
    %dma_wait3A_335 = arith.constant 384 : i32
    %dma_wait3A_336 = arith.constant 0 : i32
    %dma_wait3A_337 = tpu.memref_slice %arg6[%dma_wait3A_335, %dma_wait3A_336] : memref<512x128xf32, #tpu.memory_space<vmem>> -> memref<128x128xf32, #tpu.memory_space<vmem>>
    %dma_wait3A_338 = arith.constant 0 : i32
    %dma_wait3A_339 = tpu.memref_slice %arg4[%add3A_294, %dma_wait3A_338] : memref<16384x128xf32, #tpu.memory_space<hbm>> -> memref<128x128xf32, #tpu.memory_space<hbm>>
    %dma_wait3A_340 = arith.constant 0 : i32
    %dma_wait3A_341 = tpu.memref_slice %arg4[%add3A_294, %dma_wait3A_340] : memref<16384x128xf32, #tpu.memory_space<hbm>> -> memref<128x128xf32, #tpu.memory_space<hbm>>
    %dma_wait3A_342 = arith.constant 384 : i32
    %dma_wait3A_343 = arith.constant 0 : i32
    %dma_wait3A_344 = tpu.memref_slice %arg6[%dma_wait3A_342, %dma_wait3A_343] : memref<512x128xf32, #tpu.memory_space<vmem>> -> memref<128x128xf32, #tpu.memory_space<vmem>>
    tpu.wait_dma2 semaphore(%arg11 : memref<!tpu.dma_semaphore, #tpu.memory_space<semaphore_mem>>) src(%dma_wait3A_344 : memref<128x128xf32, #tpu.memory_space<vmem>>) dst(%dma_wait3A_341 : memref<128x128xf32, #tpu.memory_space<hbm>>)
    return
  }
}

</mosaic_0001>

<sc_bundles>
// kernel: kernel.3.cloned.1.call-start
scs
__scs_entry_jumppad:
0x0: {  	(pc) =	sbr.rel $0x88, $3  }
0x1: {  	(tag) =	ssettag $0x0;
	lr =	simm.s32 $0x1  }
0x2: {  	[smem:$0x3F9F] =	sst lr;
	_ =	strace $0xD0000000  }
0x3: {  	_ = 	snop  }
0x4: {  	_ = 	snop  }
0x5: {  	_ = 	snop  }
0x6: {  	_ = 	snop  }
0x7: {  	_ = 	snop  }
__scs_overlays_trampoline_lowered:
0x8: {  	[smem:$0x3FAE] =	sst s0  }
0x9: {  	[smem:$0x3FAF] =	sst s1  }
0xa: {  	[smem:$0x3FB0] =	sst s2  }
0xb: {  	[smem:$0x3FB1] =	sst s3  }
0xc: {  	[smem:$0x3FB2] =	sst s4  }
0xd: {  	[smem:$0x3FB3] =	sst s5  }
0xe: {  	[smem:$0x3FB4] =	sst s6  }
0xf: {  	[smem:$0x3FB5] =	sst s7  }
0x10: {  	[smem:$0x3FB6] =	sst s8  }
0x11: {  	[smem:$0x3FB7] =	sst s9;
	s0 =	simm.s32 @!p0 $0x0  }
0x12: {  	s1 =	sld [smem:$0x3F9D];
	s0 =	simm.s32 @p0 $0x1  }
0x13: {  	[smem:$0x3FB8] =	sst s0;
	s0 =	simm.s32 @!p1 $0x0  }
0x14: {  	s2 =	sld [smem:$0x3F9C];
	s0 =	simm.s32 @p1 $0x1  }
0x15: {  	[smem:$0x3FB9] =	sst s0;
	s0 =	simm.s32 @!p2 $0x0  }
0x16: {  	s3 =	sld [smem:$0x3FDB];
	s0 =	simm.s32 @p2 $0x1  }
0x17: {  	s4 =	simm.s32 $0x1BF5;
	[smem:$0x3FBB] =	sst s0  }
0x18: {  	s0 =	sld [smem:$0x3F9E];
	_ =	swait.ge [sflag:s4], $0x0  }
0x19: {  	s7 =	sld [smem:$0x3F9F]  }
0x1a: {  	s8 =	sadd.s32 $0xFFFFE003, lr  }
0x1b: {  	s9 =	sadd.s32 $0xFFFFFEF7, lr;
	s5 =	simm.s32 $0xFFFFFFFF;
	p2 =	slt.u32 s8, $0xFFFFF086  }
0x1c: {  	p1 =	slt.u32 s9, $0xF7A;
	s5 =	simm.s32 @!p2 $0x0  }
0x1d: {  	s5 =	simm.s32 @p1 $0x1;
	p0 =	seq.s32 s7, s2  }
0x1e: {  	s7 =	smul.u32 @!p0 $0xF7A, s2;
	p2 =	seq.s32 @!p0 s5, $0x0  }
0x1f: {  	s9 =	smul.u32 $0xF7A, s1;
	s8 =	simm.s32 @!p0 $0x1BF5;
	p2 =	por !p2, p0  }
0x20: {  	[sflag:s8] =	ssyncset.s32 @!p0 $0xFFFFF086;
	s6 =	sadd.s32 @!p0 s3, s7;
	s7 =	simm.s32 @!p0 $0x108  }
0x21: {  	s3 =	sadd.s32 s3, s9;
	s6 =	sadd.s32 @!p0 $0x88, s6;
	s7 =	simm.s32 @p2 $0x1082  }
0x22: {  	[simem:s7], [sflag:s8] =	dma.local @!p0 [hbm:s6], $0xF7A  }
0x23: {  	s9 =	sor.u32 $0xD0000000, s2;
	s6 =	simm.s32 $0x108;
	_ =	swait.ge @!p0 [sflag:s8], $0x0  }
0x24: {  	s3 =	sadd.s32 $0x88, s3;
	s6 =	simm.s32 @!p1 $0x1082;
	[sflag:s4] =	ssyncset.s32 $0xFFFFF086  }
0x25: {  	[simem:s6], [sflag:s4] =	dma.local [hbm:s3], $0xF7A  }
0x26: {  	[smem:$0x3F9F] =	sst s1;
	(tag) =	ssettag s2;
	_ =	strace s9  }
0x27: {  	s1 =	sld [smem:$0x3FAF]  }
0x28: {  	s2 =	sld [smem:$0x3FB0]  }
0x29: {  	s4 =	sld [smem:$0x3FB2]  }
0x2a: {  	p0 =	seq.s32 s5, $0x0;
	s5 =	sld [smem:$0x3FB3]  }
0x2b: {  	s6 =	sld [smem:$0x3FB4]  }
0x2c: {  	s7 =	sld [smem:$0x3FB5]  }
0x2d: {  	s3 =	simm.s32 $0x108;
	s8 =	sld [smem:$0x3FB6]  }
0x2e: {  	s3 =	simm.s32 @!p0 $0x1082;
	s9 =	sld [smem:$0x3FB7]  }
0x2f: {  	lr =	sadd.s32 s0, s3;
	s0 =	sld [smem:$0x3FAE]  }
0x30: {  	s3 =	sld [smem:$0x3FB1]  }
0x31: {  	[smem:$0x3FBA] =	sst s10  }
0x32: {  	s10 =	sld [smem:$0x3FB8];
	_ =	sdelay $0x3  }
0x33: {  	p0 =	seq.s32 s10, $0x1;
	s10 =	sld [smem:$0x3FBA];
	_ =	sdelay $0x3  }
0x34: {  	[smem:$0x3FBA] =	sst s10  }
0x35: {  	s10 =	sld [smem:$0x3FB9];
	_ =	sdelay $0x3  }
0x36: {  	p1 =	seq.s32 s10, $0x1;
	s10 =	sld [smem:$0x3FBA];
	_ =	sdelay $0x3  }
0x37: {  	[smem:$0x3FBA] =	sst s10  }
0x38: {  	s10 =	sld [smem:$0x3FBB]  }
0x39: {  	_ = 	snop;
	(pc) =	sbr.ind lr, $3  }
0x3a: {  	_ = 	snop  }
0x3b: {  	_ = 	snop  }
0x3c: {  	p2 =	seq.s32 s10, $0x1;
	s10 =	sld [smem:$0x3FBA]  }
0x3d: {  	_ =	shalt  }
0x3e: {  	_ =	shalt  }
0x3f: {  	_ =	shalt  }
0x40: {  	_ =	shalt  }
0x41: {  	_ =	shalt  }
0x42: {  	_ =	shalt  }
0x43: {  	_ =	shalt  }
0x44: {  	_ =	shalt  }
0x45: {  	_ =	shalt  }
0x46: {  	_ =	shalt  }
0x47: {  	_ =	shalt  }
0x48: {  	_ =	shalt  }
0x49: {  	_ =	shalt  }
0x4a: {  	_ =	shalt  }
0x4b: {  	_ =	shalt  }
0x4c: {  	_ =	shalt  }
0x4d: {  	_ =	shalt  }
0x4e: {  	_ =	shalt  }
0x4f: {  	_ =	shalt  }
0x50: {  	_ =	shalt  }
0x51: {  	_ =	shalt  }
0x52: {  	_ =	shalt  }
0x53: {  	_ =	shalt  }
0x54: {  	_ =	shalt  }
0x55: {  	_ =	shalt  }
0x56: {  	_ =	shalt  }
0x57: {  	_ =	shalt  }
0x58: {  	_ =	shalt  }
0x59: {  	_ =	shalt  }
0x5a: {  	_ =	shalt  }
0x5b: {  	_ =	shalt  }
0x5c: {  	_ =	shalt  }
0x5d: {  	_ =	shalt  }
0x5e: {  	_ =	shalt  }
0x5f: {  	_ =	shalt  }
0x60: {  	_ =	shalt  }
0x61: {  	_ =	shalt  }
0x62: {  	_ =	shalt  }
0x63: {  	_ =	shalt  }
0x64: {  	_ =	shalt  }
0x65: {  	_ =	shalt  }
0x66: {  	_ =	shalt  }
0x67: {  	_ =	shalt  }
0x68: {  	_ =	shalt  }
0x69: {  	_ =	shalt  }
0x6a: {  	_ =	shalt  }
0x6b: {  	_ =	shalt  }
0x6c: {  	_ =	shalt  }
0x6d: {  	_ =	shalt  }
0x6e: {  	_ =	shalt  }
0x6f: {  	_ =	shalt  }
0x70: {  	_ =	shalt  }
0x71: {  	_ =	shalt  }
0x72: {  	_ =	shalt  }
0x73: {  	_ =	shalt  }
0x74: {  	_ =	shalt  }
0x75: {  	_ =	shalt  }
0x76: {  	_ =	shalt  }
0x77: {  	_ =	shalt  }
0x78: {  	_ =	shalt  }
0x79: {  	_ =	shalt  }
0x7a: {  	_ =	shalt  }
0x7b: {  	_ =	shalt  }
0x7c: {  	_ =	shalt  }
0x7d: {  	_ =	shalt  }
0x7e: {  	_ =	shalt  }
0x7f: {  	_ =	shalt  }
0x80: {  	_ =	shalt  }
0x81: {  	_ =	shalt  }
0x82: {  	_ =	shalt  }
0x83: {  	_ =	shalt  }
0x84: {  	_ =	shalt  }
0x85: {  	_ =	shalt  }
0x86: {  	_ =	shalt  }
0x87: {  	_ =	shalt  }
.Lfunc_end0:
.L_simem_size_0:
called_computation_lowered:
.L_overlay_start_0:
0x88: {  	s2 =	sld [smem:$0x3FD9]  }
0x89: {  	s3 =	sld [smem:$0x3FFE];
	_ =	sdelay $0x1  }
0x8a: {  	s1 =	srdreg.scid  }
0x8b: {  	s0 =	sand.u32 $0x1, s1  }
0x8c: {  	s18 =	sshll.u32 s0, $0xA;
	s2 =	sadd.s32 s3, s2  }
0x8d: {  	s2 =	sadd.s32 s2, s18  }
0x8e: {  	[smem:$0x3FC6] =	sst s2  }
0x8f: {  	_ = 	snop  }
0x90: {  	s2 =	sld [smem:$0x3FC9]  }
0x91: {  	s19 =	sld [smem:$0x3FC8]  }
0x92: {  	s4 =	sld [smem:$0x3FD0];
	(tm) =	ssettm $0x1  }
0x93: {  	s5 =	sld [smem:$0x3FFB];
	_ =	sdelay $0x3  }
0x94: {  	_ =	strace s5  }
0x95: {  	s5 =	sld [smem:$0x3FFC];
	_ =	sdelay $0x3  }
0x96: {  	_ =	strace s5  }
0x97: {  	s5 =	sld [smem:$0x3FFD];
	_ =	sdelay $0x3  }
0x98: {  	_ =	strace s5  }
0x99: {  	_ =	strace $0x8FFFFFFF  }
0x9a: {  	s20 =	sld [smem:$0x3FDB];
	_ =	sdelay $0x1  }
0x9b: {  	s6 =	simm.s32 $_scs_section_size  }
0x9c: {  	s7 =	simm.s32 $_size__tile_overlayer_lowered;
	s8 =	simm.s32 $_tile_overlayer_lowered  }
0x9d: {  	s23 =	simm.s32 $0x1BFF;
	s22 =	sshll.u32 s8, $0x1;
	s5 =	sadd.s32 s6, s20  }
0x9e: {  	s9 =	simm.s32 $0x0;
	s21 =	sshll.u32 s7, $0x1;
	s7 =	sadd.s32 s22, s5  }
0x9f: {  	[timem:s9], [sflag:s23] =	dma.local [hbm:s7], s21  }
0xa0: {  	_ =	swait.ge [sflag:s23], s21  }
0xa1: {  	s6 =	ssub.s32 $0x0, s21;
	[sflag:s23] =	ssyncset.done $0x0  }
0xa2: {  	[sflag:s23] =	ssyncadd.s32 s6;
	_ =	sdelay $0x1  }
0xa3: {  	s24 =	simm.s32 $0x1B8B  }
0xa4: {  	_ =	swait.ge [sflag:s24], $0x1  }
0xa5: {  	[sflag:s24] =	ssyncset.done $0x0  }
0xa6: {  	s25 =	simm.s32 $0x1B8E;
	[sflag:s24] =	ssyncadd.s32 $0xFFFFFFFF  }
0xa7: {  	s26 =	simm.s32 $execute0_lowered;
	[smem:$0x3FD2] =	sst s25  }
0xa8: {  	s6 =	sshll.u32 s26, $0x1;
	_ =	strace $0x80000046;
	[dreg:$0x1] =	wrdreg $0xFFFFFFFF  }
0xa9: {  	s28 =	simm.s32 $_size_execute0_lowered;
	s5 =	sadd.s32 s5, s6;
	[dreg:$0x0] =	wrdreg $0x0  }
0xaa: {  	s6 =	sshll.u32 s28, $0x1;
	[dreg:$0x2] =	wrdreg s5  }
0xab: {  	[dreg:$0x3] =	wrdreg s6  }
0xac: {  	[dreg:$0x4] =	wrdreg $0xC0  }
0xad: {  	_ =	task [dreg:s9], $0x5FFFF  }
0xae: {  	[dreg:$0x1] =	wrdreg $0xFFFFFFFF  }
0xaf: {  	[dreg:$0x0] =	wrdreg $0x60  }
0xb0: {  	[dreg:$0x2] =	wrdreg s2  }
0xb1: {  	[dreg:$0x3] =	wrdreg s19  }
0xb2: {  	[dreg:$0x4] =	wrdreg s4  }
0xb3: {  	[dreg:$0x5] =	wrdreg $0x9  }
0xb4: {  	_ =	task.clear_ibuf [dreg:s9], $0x6FFFF;
	_ =	strace $0x90000046  }
0xb5: {  	s29 =	simm.s32 $0x9;
	_ =	strace $0x80000048  }
0xb6: {  	_ =	swait.ge [sflag:s29], $0x1  }
0xb7: {  	[sflag:s29] =	ssyncadd.s32 $0xFFFFFFFF  }
0xb8: {  	_ =	strace $0x90000048  }
0xb9: {  	_ =	sfence  }
0xba: {  	s30 =	sld [smem:$0x0];
	_ =	sdelay $0x2  }
0xbb: {  	s31 =	sshll.u32 s1, $0xD;
	s1 =	sshrl.u32 s1, $0x2  }
0xbc: {  	s3 =	sand.u32 $0x4000, s31;
	s1 =	sadd.s32 s1, s30  }
0xbd: {  	s0 =	sor.u32 s3, s0;
	s1 =	sshll.u32 s1, $0x11  }
0xbe: {  	s0 =	sor.u32 s1, s0  }
0xbf: {  	s0 =	sadd.s32 $0x8F2B, s0  }
0xc0: {  	[sflag:s0] =	ssyncadd.remote.s32 $0x1  }
0xc1: {  	_ =	sfence.sel $0xFFFF  }
0xc2: {  	[dreg:$0x0] =	wrdreg $0xFFFFFFFF;
	(pc) =	sbr.abs _section_cstart, $3  }
0xc3: {  	[dreg:$0x1] =	wrdreg $0xFFFFFFFF  }
0xc4: {  	_ =	task.clear_ibuf [dreg:s9], $0x2FFFF;
	_ =	strace $0x9FFFFFFF  }
0xc5: {  	(tm) =	ssettm $0x7FFFFFFF  }
tec
execute0_lowered:
.L_overlay_start_1:
0x0: {  	(tag) =	ssettag $0x1  }
0x1: {  	s1 =	srdreg.scid  }
0x2: {  	s4 =	rddreg [dreg:$0x0];
	s0 =	stileid.u32;
	s24 =	sand.u32 $0x1, s1  }
0x3: {  	s2 =	rddreg [dreg:$0x1];
	s5 =	sshll.u32 s0, $0xA;
	s6 =	sshll.u32 s24, $0x9  }
0x4: {  	s19 =	rddreg [dreg:$0x2];
	s3 =	simm.s32 $0x0;
	s20 =	sor.u32 s6, s5  }
0x5: {  	[smem:$0x7FF] =	sst s3;
	s5 =	sshrl.u32 s20, $0x3  }
0x6: {  	s1 =	rddreg [dreg:$0x3];
	_ =	strace $0x80000047;
	s4 =	sadd.s32 s4, s5  }
0x7: {  	[tilespmem:s3], [sflag:$0x1] =	stream.linear.gather [hbm4b:s4+s3], $0x80, $0x38;
	[tilespmem:$0x10200] =	vst v63  }
0x8: {  	s6 =	simm.s32 $0x80;
	s5 =	sadd.s32 $0x10, s4  }
0x9: {  	[tilespmem:s6], [sflag:$0x2] =	stream.linear.gather [hbm4b:s5+s3], $0x80, $0x38;
	[tilespmem:$0x10200] =	vst v63  }
0xa: {  	s8 =	simm.s32 $0x100;
	s7 =	sadd.s32 $0x20, s4  }
0xb: {  	[tilespmem:s8], [sflag:$0x3] =	stream.linear.gather [hbm4b:s7+s3], $0x80, $0x38;
	[tilespmem:$0x10200] =	vst v63  }
0xc: {  	s10 =	simm.s32 $0x180;
	s11 =	simm.s32 $0x1;
	s9 =	sadd.s32 $0x30, s4  }
0xd: {  	[tilespmem:s10], [sflag:$0x4] =	stream.linear.gather [hbm4b:s9+s3], $0x80, $0x38;
	[tilespmem:$0x10200] =	vst v63  }
0xe: {  	_ =	swait.ge [sflag:s11], $0x80  }
0xf: {  	[sflag:s11] =	ssyncset.done $0x0  }
0x10: {  	s12 =	simm.s32 $0x200;
	s13 =	simm.s32 $0x2;
	[sflag:s11] =	ssyncadd.s32 $0xFFFFFF80  }
0x11: {  	[tilespmem:s12], [sflag:$0x1] =	stream.indirect.gather [hbm4b:s2+s6], $0x80, s3, s6, $0xb8;
	[tilespmem:$0x10200] =	vst v63  }
0x12: {  	_ =	swait.ge [sflag:s13], $0x80  }
0x13: {  	[sflag:s13] =	ssyncset.done $0x0  }
0x14: {  	s14 =	simm.s32 $0x4200;
	s15 =	simm.s32 $0x3;
	[sflag:s13] =	ssyncadd.s32 $0xFFFFFF80  }
0x15: {  	[tilespmem:s14], [sflag:$0x2] =	stream.indirect.gather [hbm4b:s2+s6], $0x80, s6, s6, $0xb8;
	[tilespmem:$0x10200] =	vst v63  }
0x16: {  	_ =	swait.ge [sflag:s15], $0x80  }
0x17: {  	[sflag:s15] =	ssyncset.done $0x0  }
0x18: {  	s16 =	simm.s32 $0x8200;
	s17 =	simm.s32 $0x4;
	[sflag:s15] =	ssyncadd.s32 $0xFFFFFF80  }
0x19: {  	[tilespmem:s16], [sflag:$0x3] =	stream.indirect.gather [hbm4b:s2+s6], $0x80, s8, s6, $0xb8;
	[tilespmem:$0x10200] =	vst v63  }
0x1a: {  	_ =	swait.ge [sflag:s17], $0x80  }
0x1b: {  	[sflag:s17] =	ssyncset.done $0x0  }
0x1c: {  	s18 =	simm.s32 $0xC200;
	[sflag:s17] =	ssyncadd.s32 $0xFFFFFF80  }
0x1d: {  	[tilespmem:s18], [sflag:$0x4] =	stream.indirect.gather [hbm4b:s2+s6], $0x80, s10, s6, $0xb8;
	[tilespmem:$0x10200] =	vst v63  }
0x1e: {  	_ =	swait.ge [sflag:s11], $0x4000  }
0x1f: {  	s20 =	sshll.u32 s20, $0x4;
	[sflag:s11] =	ssyncset.done $0x0  }
0x20: {  	s19 =	sadd.s32 s19, s20;
	[sflag:s11] =	ssyncadd.s32 $0xFFFFC000  }
0x21: {  	[hbm4b:s19+s3] =	stream.linear.scatter [tilespmem:s12], [sflag:$0x5], $0x4000, $0x38;
	[tilespmem:$0x10200] =	vst v63  }
0x22: {  	_ =	swait.ge [sflag:s13], $0x4000  }
0x23: {  	[sflag:s13] =	ssyncset.done $0x0  }
0x24: {  	s20 =	sadd.s32 $0x800, s19;
	[sflag:s13] =	ssyncadd.s32 $0xFFFFC000  }
0x25: {  	[hbm4b:s20+s3] =	stream.linear.scatter [tilespmem:s14], [sflag:$0x5], $0x4000, $0x38;
	[tilespmem:$0x10200] =	vst v63  }
0x26: {  	_ =	swait.ge [sflag:s15], $0x4000  }
0x27: {  	[sflag:s15] =	ssyncset.done $0x0  }
0x28: {  	s21 =	sadd.s32 $0x1000, s19;
	[sflag:s15] =	ssyncadd.s32 $0xFFFFC000  }
0x29: {  	[hbm4b:s21+s3] =	stream.linear.scatter [tilespmem:s16], [sflag:$0x5], $0x4000, $0x38;
	[tilespmem:$0x10200] =	vst v63  }
0x2a: {  	_ =	swait.ge [sflag:s17], $0x4000  }
0x2b: {  	[sflag:s17] =	ssyncset.done $0x0  }
0x2c: {  	s22 =	simm.s32 $0x5;
	s23 =	sadd.s32 $0x1800, s19;
	[sflag:s17] =	ssyncadd.s32 $0xFFFFC000  }
0x2d: {  	[hbm4b:s23+s3] =	stream.linear.scatter [tilespmem:s18], [sflag:$0x5], $0x4000, $0x38;
	[tilespmem:$0x10200] =	vst v63  }
0x2e: {  	_ =	swait.ge [sflag:s22], $0x4000  }
0x2f: {  	s24 =	ssub.s32 $0x2, s24;
	[sflag:s22] =	ssyncset.done $0x0  }
0x30: {  	s25 =	sshrl.u32 s24, $0x1;
	[sflag:s22] =	ssyncadd.s32 $0xFFFFC000  }
0x31: {  	s24 =	ssub.s32 s24, s25;
	_ =	swait.ge [sflag:s22], $0x4000  }
0x32: {  	s24 =	smax.u32 s24, $0x1;
	[sflag:s22] =	ssyncset.done $0x0  }
0x33: {  	p0 =	sne.s32 s24, $0x1;
	[sflag:s22] =	ssyncadd.s32 $0xFFFFC000  }
.Ltmp0:
0x34: {  	_ =	swait.ge [sflag:s22], $0x4000;
	(pc) =	sbr.rel @!p0 .LBB2_2-.Ltmp0, $4  }
0x35: {  	[sflag:s22] =	ssyncset.done $0x0  }
0x36: {  	[sflag:s22] =	ssyncadd.s32 $0xFFFFC000  }
0x37: {  	_ =	swait.ge [sflag:s22], $0x4000  }
0x38: {  	s24 =	sadd.s32 $0xFFFFFFFF, s24;
	[sflag:s22] =	ssyncset.done $0x0  }
.LBB2_1:
0x39: {  	p0 =	sne.s32 s24, $0x1;
	s24 =	sadd.s32 $0xFFFFFFFF, s24;
	[sflag:s22] =	ssyncadd.s32 $0xFFFFC000  }
0x3a: {  	[tilespmem:s3], [sflag:$0x1] =	stream.linear.gather [hbm4b:s4+s3], $0x80, $0x38;
	[tilespmem:$0x10200] =	vst v63  }
0x3b: {  	_ = 	snop  }
0x3c: {  	[tilespmem:s6], [sflag:$0x2] =	stream.linear.gather [hbm4b:s5+s3], $0x80, $0x38;
	[tilespmem:$0x10200] =	vst v63  }
0x3d: {  	_ = 	snop  }
0x3e: {  	[tilespmem:s8], [sflag:$0x3] =	stream.linear.gather [hbm4b:s7+s3], $0x80, $0x38;
	[tilespmem:$0x10200] =	vst v63  }
0x3f: {  	_ = 	snop  }
0x40: {  	[tilespmem:s10], [sflag:$0x4] =	stream.linear.gather [hbm4b:s9+s3], $0x80, $0x38;
	[tilespmem:$0x10200] =	vst v63  }
0x41: {  	_ =	swait.ge [sflag:s11], $0x80  }
0x42: {  	[sflag:s11] =	ssyncset.done $0x0  }
0x43: {  	[sflag:s11] =	ssyncadd.s32 $0xFFFFFF80  }
0x44: {  	[tilespmem:s12], [sflag:$0x1] =	stream.indirect.gather [hbm4b:s2+s6], $0x80, s3, s6, $0xb8;
	[tilespmem:$0x10200] =	vst v63  }
0x45: {  	_ =	swait.ge [sflag:s13], $0x80  }
0x46: {  	[sflag:s13] =	ssyncset.done $0x0  }
0x47: {  	[sflag:s13] =	ssyncadd.s32 $0xFFFFFF80  }
0x48: {  	[tilespmem:s14], [sflag:$0x2] =	stream.indirect.gather [hbm4b:s2+s6], $0x80, s6, s6, $0xb8;
	[tilespmem:$0x10200] =	vst v63  }
0x49: {  	_ =	swait.ge [sflag:s15], $0x80  }
0x4a: {  	[sflag:s15] =	ssyncset.done $0x0  }
0x4b: {  	[sflag:s15] =	ssyncadd.s32 $0xFFFFFF80  }
0x4c: {  	[tilespmem:s16], [sflag:$0x3] =	stream.indirect.gather [hbm4b:s2+s6], $0x80, s8, s6, $0xb8;
	[tilespmem:$0x10200] =	vst v63  }
0x4d: {  	_ =	swait.ge [sflag:s17], $0x80  }
0x4e: {  	[sflag:s17] =	ssyncset.done $0x0  }
0x4f: {  	[sflag:s17] =	ssyncadd.s32 $0xFFFFFF80  }
0x50: {  	[tilespmem:s18], [sflag:$0x4] =	stream.indirect.gather [hbm4b:s2+s6], $0x80, s10, s6, $0xb8;
	[tilespmem:$0x10200] =	vst v63  }
0x51: {  	_ =	swait.ge [sflag:s11], $0x4000  }
0x52: {  	[sflag:s11] =	ssyncset.done $0x0  }
0x53: {  	[sflag:s11] =	ssyncadd.s32 $0xFFFFC000  }
0x54: {  	[hbm4b:s19+s3] =	stream.linear.scatter [tilespmem:s12], [sflag:$0x5], $0x4000, $0x38;
	[tilespmem:$0x10200] =	vst v63  }
0x55: {  	_ =	swait.ge [sflag:s13], $0x4000  }
0x56: {  	[sflag:s13] =	ssyncset.done $0x0  }
0x57: {  	[sflag:s13] =	ssyncadd.s32 $0xFFFFC000  }
0x58: {  	[hbm4b:s20+s3] =	stream.linear.scatter [tilespmem:s14], [sflag:$0x5], $0x4000, $0x38;
	[tilespmem:$0x10200] =	vst v63  }
0x59: {  	_ =	swait.ge [sflag:s15], $0x4000  }
0x5a: {  	[sflag:s15] =	ssyncset.done $0x0  }
0x5b: {  	[sflag:s15] =	ssyncadd.s32 $0xFFFFC000  }
0x5c: {  	[hbm4b:s21+s3] =	stream.linear.scatter [tilespmem:s16], [sflag:$0x5], $0x4000, $0x38;
	[tilespmem:$0x10200] =	vst v63  }
0x5d: {  	_ =	swait.ge [sflag:s17], $0x4000  }
0x5e: {  	[sflag:s17] =	ssyncset.done $0x0  }
0x5f: {  	[sflag:s17] =	ssyncadd.s32 $0xFFFFC000  }
0x60: {  	[hbm4b:s23+s3] =	stream.linear.scatter [tilespmem:s18], [sflag:$0x5], $0x4000, $0x38;
	[tilespmem:$0x10200] =	vst v63  }
0x61: {  	_ =	swait.ge [sflag:s22], $0x4000  }
0x62: {  	[sflag:s22] =	ssyncset.done $0x0  }
0x63: {  	[sflag:s22] =	ssyncadd.s32 $0xFFFFC000  }
0x64: {  	_ =	swait.ge [sflag:s22], $0x4000  }
0x65: {  	[sflag:s22] =	ssyncset.done $0x0  }
0x66: {  	[sflag:s22] =	ssyncadd.s32 $0xFFFFC000  }
.Ltmp1:
0x67: {  	_ =	swait.ge [sflag:s22], $0x4000;
	(pc) =	sbr.rel @p0 .LBB2_1-.Ltmp1, $4  }
0x68: {  	[sflag:s22] =	ssyncset.done $0x0  }
0x69: {  	[sflag:s22] =	ssyncadd.s32 $0xFFFFC000  }
0x6a: {  	_ =	swait.ge [sflag:s22], $0x4000  }
0x6b: {  	[sflag:s22] =	ssyncset.done $0x0  }
.LBB2_2:
0x6c: {  	[sflag:s22] =	ssyncadd.s32 $0xFFFFC000  }
0x6d: {  	_ =	sfence.sel $0x180000  }
0x6e: {  	[bflag:$0x0] =	sbarrier.arrive $0xFFFF  }
0x6f: {  	p0 =	sne.s32 s0, $0x0;
	_ =	strace $0x90000047  }
0x70: {  	s0 =	sadd.s32 @!p0 $0x100000, s1;
	[bflag:$0x2] =	sbarrier.arrive $0xFFFF  }
0x71: {  	[sflag:s0] =	ssyncadd.tile.s32 @!p0 $0x1;
	_ =	shalt  }
.Lfunc_end2:
_tile_overlayer_lowered:
.L_overlay_start_2:
0x72: {  	(tag) =	ssettag $0x2  }
0x73: {  	s0 =	rddreg [dreg:$0x0];
	s2 =	stileid.u32  }
0x74: {  	s1 =	rddreg [dreg:$0x1];
	p0 =	sne.s32 s2, $0x0  }
0x75: {  	s3 =	rddreg [dreg:$0x2];
	[bflag:$0x3] =	sbarrier.arrive $0xFFFF;
	s2 =	simm.s32 @!p0 $0x1C06  }
0x76: {  	[timem:s3], [sflag:s2] =	dma.local @!p0 [hbm:s0], s1  }
0x77: {  	s0 =	simm.s32 @!p0 $0x6  }
0x78: {  	_ =	swait.ge @!p0 [sflag:s0], s1  }
0x79: {  	s1 =	ssub.s32 @!p0 $0x0, s1;
	[sflag:s0] =	ssyncset.done @!p0 $0x0  }
0x7a: {  	[sflag:s0] =	ssyncadd.s32 @!p0 s1  }
0x7b: {  	[bflag:$0x3] =	sbarrier.arrive $0xFFFF  }
0x7c: {  	_ =	shalt  }

</sc_bundles>
